<compile_context>
chip_gen: v7x
topology: tpu7x:2x2x1
jax: 0.10.2.dev20260603
libtpu: 0.0.44.dev20260713+nightly
codegen_flags: <defaults>
</compile_context>

<pallas_src>
import dataclasses
import functools

import numpy as np
import jax
import jax.numpy as jnp
from jax import lax
from jax.experimental import pallas as pl
from jax.experimental.pallas import tpu as pltpu
from jax.experimental.pallas import tpu_sc as plsc

N_NODES = 10000
N_EDGES = 320000
N_REL = 1000
HID = 128
HEADS = 4
D_HEAD = HID // HEADS
NEG_SLOPE = 0.2

NC = 2
NS = 16
LANES = 16
NW = NC * NS

HHALF = HID // NC
EK = 80
E_PER_S = N_EDGES // NS
N_CHUNKS = E_PER_S // EK

NPAD = 10240
GPW = NPAD // NW
ROWS_PER_SUB = NPAD // NS


def _vector_mesh():
    return plsc.VectorSubcoreMesh(core_axis_name="c", subcore_axis_name="s")


def _sc_compiler_params():
    cp = pltpu.CompilerParams()
    fields = pltpu.CompilerParams.__dataclass_fields__
    if "needs_layout_passes" in fields:
        cp = dataclasses.replace(cp, needs_layout_passes=False)
    if "use_tc_tiling_on_sc" in fields:
        cp = dataclasses.replace(cp, use_tc_tiling_on_sc=False)
    return cp


@jax.jit
def _sc_gather_rows(table, idx):
    n_sub = GPW // EK

    @functools.partial(
        pl.kernel,
        out_type=jax.ShapeDtypeStruct((NPAD, HID), jnp.float32),
        mesh=_vector_mesh(),
        scratch_types=[
            pltpu.VMEM((EK,), jnp.int32),
            pltpu.VMEM((EK, HID), jnp.float32),
            pltpu.SemaphoreType.DMA,
        ],
    )
    def k(table_hbm, idx_hbm, out_hbm, idx_v, rows_v, sem):
        wid = lax.axis_index("s") * NC + lax.axis_index("c")

        @pl.loop(0, n_sub)
        def _(g):
            base = wid * GPW + g * EK
            pltpu.sync_copy(idx_hbm.at[pl.ds(base, EK)], idx_v)
            pltpu.async_copy(table_hbm.at[idx_v], rows_v, sem).wait()
            pltpu.sync_copy(rows_v, out_hbm.at[pl.ds(base, EK)])

    return k(table, idx)


IDS_BLK = 3 * EK


@jax.jit
def _sc_edge_pass(ids_packed, whs_flat, eler_flat, ee_flat, z64, z16):
    @functools.partial(
        pl.kernel,
        out_type=(
            jax.ShapeDtypeStruct((NC, NPAD, HHALF), jnp.float32),
            jax.ShapeDtypeStruct((NC, NPAD, LANES), jnp.float32),
        ),
        mesh=_vector_mesh(),
        scratch_types=[
            pltpu.VMEM((NPAD * 4,), jnp.int32),
            pltpu.VMEM((N_REL * 4,), jnp.float32),
            pltpu.VMEM((IDS_BLK,), jnp.int32),
            pltpu.VMEM((IDS_BLK,), jnp.int32),
            pltpu.VMEM((EK,), jnp.int32),
            pltpu.VMEM((EK,), jnp.int32),
            pltpu.VMEM((EK,), jnp.int32),
            pltpu.VMEM((EK,), jnp.int32),
            pltpu.VMEM((EK, HHALF), jnp.float32),
            pltpu.VMEM((EK, HHALF), jnp.float32),
            pltpu.VMEM((EK, LANES), jnp.float32),
            pltpu.VMEM((EK, LANES), jnp.float32),
            pltpu.VMEM_SHARED((NPAD, HHALF), jnp.float32),
            pltpu.VMEM_SHARED((NPAD, LANES), jnp.float32),
            pltpu.SemaphoreType.DMA,
            pltpu.SemaphoreType.DMA,
            pltpu.SemaphoreType.DMA,
            pltpu.SemaphoreType.DMA,
            pltpu.SemaphoreType.DMA,
            pltpu.SemaphoreType.DMA,
            pltpu.SemaphoreType.DMA,
            pltpu.SemaphoreType.DMA,
        ],
        compiler_params=_sc_compiler_params(),
    )
    def k(ids_hbm, whs_hbm, eler_hbm, ee_hbm, z64_hbm, z16_hbm,
          outp_hbm, den_hbm,
          eler_v, ee_v, ids0, ids1, srcw0, srcw1, dsti0, dsti1,
          rows0, rows1, w0, w1, out_sh, den_sh,
          si0, si1, sg0, sg1, so0, so1, sd0, sd1):
        cid = lax.axis_index("c")
        sid = lax.axis_index("s")
        r0 = sid * ROWS_PER_SUB
        is0 = cid == 0

        pltpu.sync_copy(z64_hbm.at[pl.ds(r0, ROWS_PER_SUB)],
                        out_sh.at[pl.ds(r0, ROWS_PER_SUB)])
        pltpu.sync_copy(z16_hbm.at[pl.ds(r0, ROWS_PER_SUB)],
                        den_sh.at[pl.ds(r0, ROWS_PER_SUB)])
        pltpu.sync_copy(eler_hbm, eler_v)
        pltpu.sync_copy(ee_hbm, ee_v)
        zero16 = jnp.zeros((LANES,), jnp.float32)

        @pl.loop(0, EK)
        def _(kk):
            w0[kk, :] = zero16
            w1[kk, :] = zero16

        plsc.subcore_barrier()

        iota16 = lax.iota(jnp.int32, 16)
        hbase = cid * 2
        whoff = cid * NPAD
        tile_base = sid * N_CHUNKS * IDS_BLK

        bufs = ((ids0, srcw0, dsti0, rows0, w0, si0, sg0, so0, sd0),
                (ids1, srcw1, dsti1, rows1, w1, si1, sg1, so1, sd1))

        pltpu.async_copy(ids_hbm.at[pl.ds(tile_base, IDS_BLK)], ids0, si0)

        @pl.loop(0, N_CHUNKS // 2)
        def _(j):
            for p in (0, 1):
                ids_v, srcw_v, dsti_v, rows_v, w_v, si, sg, so, sd = bufs[p]
                n_ids, n_si = bufs[1 - p][0], bufs[1 - p][5]
                g = j * 2 + p
                pltpu.make_async_copy(
                    ids_hbm.at[pl.ds(0, IDS_BLK)], ids_v, si).wait()
                pltpu.async_copy(
                    ids_hbm.at[pl.ds(tile_base + (g + 1) * IDS_BLK, IDS_BLK)],
                    n_ids, n_si)
                @pl.when(j > 0)
                def _():
                    pltpu.make_async_copy(
                        rows_v, out_sh.at[dsti_v], so).wait()
                    pltpu.make_async_copy(
                        w_v, den_sh.at[dsti_v], sd).wait()

                @plsc.parallel_loop(0, EK // LANES, unroll=5)
                def _(q):
                    sl = pl.ds(q * LANES, LANES)
                    srcw_v[sl] = ids_v[pl.ds(q * LANES, LANES)] + whoff
                    dsti_v[sl] = ids_v[pl.ds(EK + q * LANES, LANES)]

                pltpu.async_copy(whs_hbm.at[srcw_v], rows_v, sg)

                @plsc.parallel_loop(0, EK // LANES, unroll=5)
                def _(q):
                    s16 = ids_v[pl.ds(q * LANES, LANES)] * 4 + hbase
                    d16 = ids_v[pl.ds(EK + q * LANES, LANES)] * 4 + hbase
                    r16 = ids_v[pl.ds(2 * EK + q * LANES, LANES)] * 4 + hbase
                    for hh in range(2):
                        sw = plsc.load_gather(eler_v, [s16 + hh])
                        dw = plsc.load_gather(eler_v, [d16 + hh])
                        ee = plsc.load_gather(ee_v, [r16 + hh])
                        el = plsc.bitcast(sw & jnp.int32(-65536), jnp.float32)
                        er = plsc.bitcast(dw << 16, jnp.float32)
                        e = el + er + ee
                        e = jnp.maximum(e, e * NEG_SLOPE)
                        w = jnp.exp(e)
                        plsc.store_scatter(
                            w_v,
                            [q * LANES + iota16,
                             jnp.full((LANES,), hh, jnp.int32)],
                            w)

                pltpu.async_copy(w_v, den_sh.at[dsti_v], sd, add=True)

                p_ids, p_srcw, p_dsti, p_rows, p_w, p_si, p_sg, p_so, p_sd = \
                    bufs[1 - p]

                def scale_and_scatter():
                    pltpu.make_async_copy(
                        whs_hbm.at[p_srcw], p_rows, p_sg).wait()

                    @plsc.parallel_loop(0, EK, unroll=8)
                    def _(kk):
                        w16 = p_w[kk, :]
                        for cc in range(HHALF // LANES):
                            m = jnp.full((LANES,), w16[cc // 2])
                            sl = pl.ds(cc * LANES, LANES)
                            p_rows[kk, sl] = p_rows[kk, sl] * m

                    pltpu.async_copy(p_rows, out_sh.at[p_dsti], p_so, add=True)

                if p == 0:
                    @pl.when(j > 0)
                    def _():
                        scale_and_scatter()
                else:
                    scale_and_scatter()

        pltpu.make_async_copy(
            whs_hbm.at[bufs[1][1]], bufs[1][3], bufs[1][6]).wait()

        @plsc.parallel_loop(0, EK, unroll=8)
        def _(kk):
            w16 = bufs[1][4][kk, :]
            for cc in range(HHALF // LANES):
                m = jnp.full((LANES,), w16[cc // 2])
                sl = pl.ds(cc * LANES, LANES)
                bufs[1][3][kk, sl] = bufs[1][3][kk, sl] * m

        pltpu.async_copy(bufs[1][3], out_sh.at[bufs[1][2]], bufs[1][7],
                         add=True)
        pltpu.make_async_copy(ids_hbm.at[pl.ds(0, IDS_BLK)], ids0, si0).wait()
        for p in (0, 1):
            ids_v, srcw_v, dsti_v, rows_v, w_v, si, sg, so, sd = bufs[p]
            pltpu.make_async_copy(rows_v, out_sh.at[dsti_v], so).wait()
            pltpu.make_async_copy(w_v, den_sh.at[dsti_v], sd).wait()

        plsc.subcore_barrier()
        pltpu.sync_copy(out_sh.at[pl.ds(r0, ROWS_PER_SUB)],
                        outp_hbm.at[cid, pl.ds(r0, ROWS_PER_SUB)])
        pltpu.sync_copy(den_sh.at[pl.ds(r0, ROWS_PER_SUB)],
                        den_hbm.at[cid, pl.ds(r0, ROWS_PER_SUB)])

    return k(ids_packed, whs_flat, eler_flat, ee_flat, z64, z16)


def _dot(a, b):
    return jnp.dot(a, b, preferred_element_type=jnp.float32)


def _pack_eler(eler):
    eb = lax.bitcast_convert_type(eler, jnp.int32)
    el_b = eb[:, :HEADS] & jnp.int32(-65536)
    er_b = lax.shift_right_logical(eb[:, HEADS:], 16)
    return el_b | er_b


def _tc_prep(h, W, wcat, rel_table, wrcat):
    def body(h_ref, w_ref, wcat_ref, rt_ref, wrcat_ref,
             whs_ref, eler_ref, ee_ref):
        hh = h_ref[...]
        whs_ref[0] = _dot(hh, w_ref[:, :HHALF])
        whs_ref[1] = _dot(hh, w_ref[:, HHALF:])
        eler_ref[...] = _pack_eler(_dot(hh, wcat_ref[...]))
        ee_ref[...] = _dot(rt_ref[...], wrcat_ref[...])

    return pl.pallas_call(
        body,
        out_shape=(
            jax.ShapeDtypeStruct((NC, NPAD, HHALF), jnp.float32),
            jax.ShapeDtypeStruct((NPAD, HEADS), jnp.int32),
            jax.ShapeDtypeStruct((N_REL, HEADS), jnp.float32),
        ),
    )(h, W, wcat, rel_table, wrcat)


def _combine_norm(o_ref, d_ref, exp_ref):
    s = jnp.concatenate([o_ref[0], o_ref[1]], axis=1)
    den4 = jnp.concatenate([d_ref[0][:, :2], d_ref[1][:, :2]], axis=1)
    inv = 1.0 / (den4 + 1e-9)
    return s * _dot(inv, exp_ref[...])


def _tc_norm_prep(outp, den, W, wcat, rel_table, wrcat, expand):
    def body(o_ref, d_ref, w_ref, wcat_ref, rt_ref, wrcat_ref, exp_ref,
             whs_ref, eler_ref, ee_ref):
        h2 = _combine_norm(o_ref, d_ref, exp_ref)
        whs_ref[0] = _dot(h2, w_ref[:, :HHALF])
        whs_ref[1] = _dot(h2, w_ref[:, HHALF:])
        eler_ref[...] = _pack_eler(_dot(h2, wcat_ref[...]))
        ee_ref[...] = _dot(rt_ref[...], wrcat_ref[...])

    return pl.pallas_call(
        body,
        out_shape=(
            jax.ShapeDtypeStruct((NC, NPAD, HHALF), jnp.float32),
            jax.ShapeDtypeStruct((NPAD, HEADS), jnp.int32),
            jax.ShapeDtypeStruct((N_REL, HEADS), jnp.float32),
        ),
    )(outp, den, W, wcat, rel_table, wrcat, expand)


def _tc_final(outp, den, cls_idx, expand):
    n_cls = cls_idx.shape[0]

    def body(o_ref, d_ref, cls_ref, exp_ref, out_ref):
        h3 = _combine_norm(o_ref, d_ref, exp_ref)
        ids = cls_ref[...]
        col = lax.broadcasted_iota(jnp.int32, (n_cls, NPAD), 1)
        onehot = (ids[:, None] == col).astype(jnp.float32)
        out_ref[...] = _dot(onehot, h3)

    return pl.pallas_call(
        body,
        out_shape=jax.ShapeDtypeStruct((n_cls, HID), jnp.float32),
    )(outp, den, cls_idx, expand)


def _fold_attn(W, a_src, a_dst):
    Wr3 = W.reshape(W.shape[0], HEADS, D_HEAD)
    vsrc = jnp.einsum("khd,hd->kh", Wr3, a_src)
    vdst = jnp.einsum("khd,hd->kh", Wr3, a_dst)
    return jnp.concatenate([vsrc, vdst], axis=1)


def _fold_rel(Wr, a_rel):
    return jnp.einsum("khd,hd->kh", Wr.reshape(Wr.shape[0], HEADS, D_HEAD), a_rel)


_EXPAND = np.zeros((HEADS, HID), np.float32)
for _h in range(HEADS):
    _EXPAND[_h, _h * D_HEAD:(_h + 1) * D_HEAD] = 1.0


def kernel(ent_table, rel_table, W1, Wr1, a_src1, a_dst1, a_rel1,
           W2, Wr2, a_src2, a_dst2, a_rel2,
           ent_ids, rel_ids, edge_index, cls_idx):
    expand = jnp.asarray(_EXPAND)
    wcat1 = _fold_attn(W1, a_src1, a_dst1)
    wcat2 = _fold_attn(W2, a_src2, a_dst2)
    wrcat1 = _fold_rel(Wr1, a_rel1)
    wrcat2 = _fold_rel(Wr2, a_rel2)

    ids = jnp.stack([edge_index[0], edge_index[1], rel_ids])
    ids = ids.reshape(3, NS, N_CHUNKS, EK).transpose(1, 2, 0, 3).reshape(-1)
    ids = jnp.concatenate([ids, jnp.zeros((IDS_BLK,), jnp.int32)])
    z64 = jnp.zeros((NPAD, HHALF), jnp.float32)
    z16 = jnp.zeros((NPAD, LANES), jnp.float32)

    ids_pad = jnp.pad(ent_ids, (0, NPAD - N_NODES))
    h = _sc_gather_rows(ent_table, ids_pad)

    whs1, eler1, ee1 = _tc_prep(h, W1, wcat1, rel_table, wrcat1)
    outp1, den1 = _sc_edge_pass(ids, whs1.reshape(NC * NPAD, HHALF),
                                eler1.reshape(-1), ee1.reshape(-1), z64, z16)

    whs2, eler2, ee2 = _tc_norm_prep(outp1, den1, W2, wcat2, rel_table, wrcat2,
                                     expand)
    outp2, den2 = _sc_edge_pass(ids, whs2.reshape(NC * NPAD, HHALF),
                                eler2.reshape(-1), ee2.reshape(-1), z64, z16)

    return _tc_final(outp2, den2, cls_idx, expand)

# --- scband reference (transcript-rebuilt; emitter-appended) ---
"""Pipeline reference for scband-contrastive-kemodel-13434657701937 (READ-ONLY COPY).

The authoritative reference and input builder live on the scoring server;
editing this copy changes nothing except your own understanding.
"""

import jax, jax.numpy as jnp
import numpy as np

N_NODES = 10000
N_EDGES = 320000
N_ENT = 100000
N_REL = 1000
ENT_DIM = 128
REL_DIM = 128
HID = 128
HEADS = 4
D_HEAD = HID // HEADS
N_GRAPHS = 64
NEG_SLOPE = 0.2


def setup_inputs(seed: int = 0) -> dict:
    key = jax.random.key(seed)
    ks = jax.random.split(key, 20)
    # learned parameters (per init_kwargs): embedding tables + 2 KGE/GAT layers
    ent_table = (jax.random.normal(ks[0], (N_ENT, ENT_DIM)) * 0.05).astype(jnp.float32)
    rel_table = (jax.random.normal(ks[1], (N_REL, REL_DIM)) * 0.05).astype(jnp.float32)

    def lin(k, in_dim):
        return (jax.random.normal(k, (in_dim, HEADS * D_HEAD)) * (1.0 / np.sqrt(in_dim))).astype(jnp.float32)

    W1 = lin(ks[2], ENT_DIM)
    Wr1 = lin(ks[3], REL_DIM)
    a_src1 = (jax.random.normal(ks[4], (HEADS, D_HEAD)) * 0.1).astype(jnp.float32)
    a_dst1 = (jax.random.normal(ks[5], (HEADS, D_HEAD)) * 0.1).astype(jnp.float32)
    a_rel1 = (jax.random.normal(ks[6], (HEADS, D_HEAD)) * 0.1).astype(jnp.float32)
    W2 = lin(ks[7], HID)
    Wr2 = lin(ks[8], REL_DIM)
    a_src2 = (jax.random.normal(ks[9], (HEADS, D_HEAD)) * 0.1).astype(jnp.float32)
    a_dst2 = (jax.random.normal(ks[10], (HEADS, D_HEAD)) * 0.1).astype(jnp.float32)
    a_rel2 = (jax.random.normal(ks[11], (HEADS, D_HEAD)) * 0.1).astype(jnp.float32)

    # batched-graph tensors (flat DGL representation)
    ent_ids = jax.random.randint(ks[12], (N_NODES,), 0, N_ENT, dtype=jnp.int32)
    rel_ids = jax.random.randint(ks[13], (N_EDGES,), 0, N_REL, dtype=jnp.int32)
    edge_index = jax.random.randint(ks[14], (2, N_EDGES), 0, N_NODES, dtype=jnp.int32)
    cls_idx = jnp.sort(jax.random.randint(ks[15], (N_GRAPHS,), 0, N_NODES, dtype=jnp.int32))

    return {
        "ent_table": ent_table, "rel_table": rel_table,
        "W1": W1, "Wr1": Wr1, "a_src1": a_src1, "a_dst1": a_dst1, "a_rel1": a_rel1,
        "W2": W2, "Wr2": Wr2, "a_src2": a_src2, "a_dst2": a_dst2, "a_rel2": a_rel2,
        "ent_ids": ent_ids, "rel_ids": rel_ids, "edge_index": edge_index, "cls_idx": cls_idx,
    }


def _kge_gat_layer(h, rel_feat, src, dst, W, Wr, a_src, a_dst, a_rel, num_nodes):
    # relation-aware multi-head GAT layer (KGELayer)
    Wh = (h @ W).reshape(num_nodes, HEADS, D_HEAD)              # [N,H,D]
    Wr_e = (rel_feat @ Wr).reshape(-1, HEADS, D_HEAD)           # [E,H,D]
    el = jnp.sum(Wh * a_src[None, :, :], axis=-1)               # [N,H]
    er = jnp.sum(Wh * a_dst[None, :, :], axis=-1)               # [N,H]
    ee = jnp.sum(Wr_e * a_rel[None, :, :], axis=-1)             # [E,H]
    e = el[src] + er[dst] + ee                                  # gather over edges
    e = jax.nn.leaky_relu(e, NEG_SLOPE)
    e_max = jax.ops.segment_max(e, dst, num_segments=num_nodes)  # segment softmax
    e_max = jnp.where(jnp.isfinite(e_max), e_max, 0.0)
    e_exp = jnp.exp(e - e_max[dst])
    denom = jax.ops.segment_sum(e_exp, dst, num_segments=num_nodes)
    attn = e_exp / (denom[dst] + 1e-9)                          # [E,H]
    msg = Wh[src] * attn[:, :, None]                            # [E,H,D]
    out = jax.ops.segment_sum(msg, dst, num_segments=num_nodes)  # scatter-add
    return out.reshape(num_nodes, HEADS * D_HEAD)


def reference(ent_table, rel_table, W1, Wr1, a_src1, a_dst1, a_rel1,
              W2, Wr2, a_src2, a_dst2, a_rel2,
              ent_ids, rel_ids, edge_index, cls_idx):
    num_nodes = ent_ids.shape[0]
    # ExternalEmbedding lookups
    h = jnp.take(ent_table, ent_ids, axis=0)        # [N, ent_dim]
    r = jnp.take(rel_table, rel_ids, axis=0)        # [E, rel_dim]
    # rel_map is Identity since graph_hidden_dim == rel_dim
    src = edge_index[0]
    dst = edge_index[1]
    h = _kge_gat_layer(h, r, src, dst, W1, Wr1, a_src1, a_dst1, a_rel1, num_nodes)
    h = _kge_gat_layer(h, r, src, dst, W2, Wr2, a_src2, a_dst2, a_rel2, num_nodes)
    # per-subgraph CLS embedding: first dst node of each unbatched graph
    cls_embed = jnp.take(h, cls_idx, axis=0)        # [B, hid]
    return cls_embed

if __name__ == "__main__":
    import jax
    _d = setup_inputs()
    print(jax.jit(kernel)(*tuple(_d.values())))

</pallas_src>

<mosaic_0001>
#map = affine_map<(d0, d1) -> (0, 0)>
#map1 = affine_map<(d0, d1) -> (0)>
module attributes {stable_mosaic.version = 14 : i64} {
  func.func @k(%arg0: i32, %arg1: i32, %arg2: memref<100000x128xf32, #tpu.memory_space<hbm>>, %arg3: memref<10240xi32, #tpu.memory_space<hbm>>, %arg4: memref<10240x128xf32, #tpu.memory_space<hbm>>, %arg5: memref<80xi32, #tpu.memory_space<vmem>>, %arg6: memref<80x128xf32, #tpu.memory_space<vmem>>, %arg7: memref<!tpu.dma_semaphore, #tpu.memory_space<semaphore_mem>>) attributes {dimension_semantics = [#tpu.dimension_semantics<core_parallel>, #tpu.dimension_semantics<subcore_parallel>], iteration_bounds = array<i64: 2, 16>, scalar_prefetch = 0 : i64, scratch_operands = 3 : i64, tpu.core_type = #tpu.core_type<sc_vector_subcore>, window_params = [{transform_indices = #map}, {transform_indices = #map1}, {transform_indices = #map}]} {
    %mul3A = arith.constant 2 : i32
    %mul3A_0 = arith.muli %arg1, %mul3A : i32
    %add3A = arith.addi %mul3A_0, %arg0 : i32
    %scan3A = arith.constant 0 : i32
    %scan3A_1 = arith.constant 4 : i32
    %scan3A_2 = arith.addi %scan3A, %scan3A_1 : i32
    %scan3A_3 = arith.constant 1 : i32
    scf.for %scan3A_5 = %scan3A to %scan3A_2 step %scan3A_3  : i32 {
      %mul3A_6 = arith.constant 1 : i32
      %mul3A_7 = arith.muli %scan3A_5, %mul3A_6 : i32
      %add3A_8 = arith.constant 0 : i32
      %add3A_9 = arith.addi %add3A_8, %mul3A_7 : i32
      %mul3A_10 = arith.constant 320 : i32
      %mul3A_11 = arith.muli %add3A, %mul3A_10 : i32
      %mul3A_12 = arith.constant 80 : i32
      %mul3A_13 = arith.muli %add3A_9, %mul3A_12 : i32
      %add3A_14 = arith.addi %mul3A_11, %mul3A_13 : i32
      "tpu.region"() ({
        %run_scoped3A = tpu.sem_alloc : memref<!tpu.dma_semaphore, #tpu.memory_space<semaphore_mem>>
        %dma_start3A_19 = tpu.memref_slice %arg3[%add3A_14] : memref<10240xi32, #tpu.memory_space<hbm>> -> memref<80xi32, #tpu.memory_space<hbm>>
        %dma_start3A_20 = tpu.memref_slice %arg3[%add3A_14] : memref<10240xi32, #tpu.memory_space<hbm>> -> memref<80xi32, #tpu.memory_space<hbm>>
        tpu.enqueue_dma source(%dma_start3A_20 : memref<80xi32, #tpu.memory_space<hbm>>) target(%arg5 : memref<80xi32, #tpu.memory_space<vmem>>) target_semaphore(%run_scoped3A : memref<!tpu.dma_semaphore, #tpu.memory_space<semaphore_mem>>)
        %dma_wait3A_21 = tpu.memref_slice %arg3[%add3A_14] : memref<10240xi32, #tpu.memory_space<hbm>> -> memref<80xi32, #tpu.memory_space<hbm>>
        %dma_wait3A_22 = tpu.memref_slice %arg3[%add3A_14] : memref<10240xi32, #tpu.memory_space<hbm>> -> memref<80xi32, #tpu.memory_space<hbm>>
        tpu.wait_dma2 semaphore(%run_scoped3A : memref<!tpu.dma_semaphore, #tpu.memory_space<semaphore_mem>>) src(%dma_wait3A_22 : memref<80xi32, #tpu.memory_space<hbm>>) dst(%arg5 : memref<80xi32, #tpu.memory_space<vmem>>)
        tpu.yield
      }) : () -> ()
      %dma_start3A = arith.constant 0 : i32
      %dma_start3A_15 = arith.constant 0 : i32
      %dma_start3A_16 = tpu.memref_slice %arg2[%dma_start3A, %dma_start3A_15] : memref<100000x128xf32, #tpu.memory_space<hbm>> -> memref<100000x128xf32, #tpu.memory_space<hbm>>
      tpu.enqueue_indirect_dma source(%dma_start3A_16 : memref<100000x128xf32, #tpu.memory_space<hbm>>) target(%arg6 : memref<80x128xf32, #tpu.memory_space<vmem>>) offsets(%arg5 : memref<80xi32, #tpu.memory_space<vmem>>) semaphore(%arg7 : memref<!tpu.dma_semaphore, #tpu.memory_space<semaphore_mem>>)
      %dma_wait3A = arith.constant 0 : i32
      %dma_wait3A_17 = arith.constant 0 : i32
      %dma_wait3A_18 = tpu.memref_slice %arg2[%dma_wait3A, %dma_wait3A_17] : memref<100000x128xf32, #tpu.memory_space<hbm>> -> memref<100000x128xf32, #tpu.memory_space<hbm>>
      tpu.wait_indirect_dma semaphore(%arg7 : memref<!tpu.dma_semaphore, #tpu.memory_space<semaphore_mem>>) src(%dma_wait3A_18 : memref<100000x128xf32, #tpu.memory_space<hbm>>) dst(%arg6 : memref<80x128xf32, #tpu.memory_space<vmem>>)
      "tpu.region"() ({
        %run_scoped3A = tpu.sem_alloc : memref<!tpu.dma_semaphore, #tpu.memory_space<semaphore_mem>>
        %dma_start3A_19 = arith.constant 0 : i32
        %dma_start3A_20 = tpu.memref_slice %arg4[%add3A_14, %dma_start3A_19] : memref<10240x128xf32, #tpu.memory_space<hbm>> -> memref<80x128xf32, #tpu.memory_space<hbm>>
        %dma_start3A_21 = arith.constant 0 : i32
        %dma_start3A_22 = tpu.memref_slice %arg4[%add3A_14, %dma_start3A_21] : memref<10240x128xf32, #tpu.memory_space<hbm>> -> memref<80x128xf32, #tpu.memory_space<hbm>>
        tpu.enqueue_dma source(%arg6 : memref<80x128xf32, #tpu.memory_space<vmem>>) target(%dma_start3A_22 : memref<80x128xf32, #tpu.memory_space<hbm>>) target_semaphore(%run_scoped3A : memref<!tpu.dma_semaphore, #tpu.memory_space<semaphore_mem>>)
        %dma_wait3A_23 = arith.constant 0 : i32
        %dma_wait3A_24 = tpu.memref_slice %arg4[%add3A_14, %dma_wait3A_23] : memref<10240x128xf32, #tpu.memory_space<hbm>> -> memref<80x128xf32, #tpu.memory_space<hbm>>
        %dma_wait3A_25 = arith.constant 0 : i32
        %dma_wait3A_26 = tpu.memref_slice %arg4[%add3A_14, %dma_wait3A_25] : memref<10240x128xf32, #tpu.memory_space<hbm>> -> memref<80x128xf32, #tpu.memory_space<hbm>>
        tpu.wait_dma2 semaphore(%run_scoped3A : memref<!tpu.dma_semaphore, #tpu.memory_space<semaphore_mem>>) src(%arg6 : memref<80x128xf32, #tpu.memory_space<vmem>>) dst(%dma_wait3A_26 : memref<80x128xf32, #tpu.memory_space<hbm>>)
        tpu.yield
      }) : () -> ()
    }
    %scan3A_4 = arith.constant 4 : i32
    return
  }
}

</mosaic_0001>

<sc_bundles>
// kernel: _sc_gather_rows.3.cloned.1.call-start
scs
__scs_entry_jumppad:
0x0: {  	(pc) =	sbr.rel $0x88, $3  }
0x1: {  	(tag) =	ssettag $0x0;
	lr =	simm.s32 $0x1  }
0x2: {  	[smem:$0x3F9F] =	sst lr;
	_ =	strace $0xD0000000  }
0x3: {  	_ = 	snop  }
0x4: {  	_ = 	snop  }
0x5: {  	_ = 	snop  }
0x6: {  	_ = 	snop  }
0x7: {  	_ = 	snop  }
__scs_overlays_trampoline_lowered:
0x8: {  	[smem:$0x3FAE] =	sst s0  }
0x9: {  	[smem:$0x3FAF] =	sst s1  }
0xa: {  	[smem:$0x3FB0] =	sst s2  }
0xb: {  	[smem:$0x3FB1] =	sst s3  }
0xc: {  	[smem:$0x3FB2] =	sst s4  }
0xd: {  	[smem:$0x3FB3] =	sst s5  }
0xe: {  	[smem:$0x3FB4] =	sst s6  }
0xf: {  	[smem:$0x3FB5] =	sst s7  }
0x10: {  	[smem:$0x3FB6] =	sst s8  }
0x11: {  	[smem:$0x3FB7] =	sst s9;
	s0 =	simm.s32 @!p0 $0x0  }
0x12: {  	s1 =	sld [smem:$0x3F9D];
	s0 =	simm.s32 @p0 $0x1  }
0x13: {  	[smem:$0x3FB8] =	sst s0;
	s0 =	simm.s32 @!p1 $0x0  }
0x14: {  	s2 =	sld [smem:$0x3F9C];
	s0 =	simm.s32 @p1 $0x1  }
0x15: {  	[smem:$0x3FB9] =	sst s0;
	s0 =	simm.s32 @!p2 $0x0  }
0x16: {  	s3 =	sld [smem:$0x3FDB];
	s0 =	simm.s32 @p2 $0x1  }
0x17: {  	s4 =	simm.s32 $0x1BF5;
	[smem:$0x3FBB] =	sst s0  }
0x18: {  	s0 =	sld [smem:$0x3F9E];
	_ =	swait.ge [sflag:s4], $0x0  }
0x19: {  	s7 =	sld [smem:$0x3F9F]  }
0x1a: {  	s8 =	sadd.s32 $0xFFFFE003, lr  }
0x1b: {  	s9 =	sadd.s32 $0xFFFFFEF7, lr;
	s5 =	simm.s32 $0xFFFFFFFF;
	p2 =	slt.u32 s8, $0xFFFFF086  }
0x1c: {  	p1 =	slt.u32 s9, $0xF7A;
	s5 =	simm.s32 @!p2 $0x0  }
0x1d: {  	s5 =	simm.s32 @p1 $0x1;
	p0 =	seq.s32 s7, s2  }
0x1e: {  	s7 =	smul.u32 @!p0 $0xF7A, s2;
	p2 =	seq.s32 @!p0 s5, $0x0  }
0x1f: {  	s9 =	smul.u32 $0xF7A, s1;
	s8 =	simm.s32 @!p0 $0x1BF5;
	p2 =	por !p2, p0  }
0x20: {  	[sflag:s8] =	ssyncset.s32 @!p0 $0xFFFFF086;
	s6 =	sadd.s32 @!p0 s3, s7;
	s7 =	simm.s32 @!p0 $0x108  }
0x21: {  	s3 =	sadd.s32 s3, s9;
	s6 =	sadd.s32 @!p0 $0x88, s6;
	s7 =	simm.s32 @p2 $0x1082  }
0x22: {  	[simem:s7], [sflag:s8] =	dma.local @!p0 [hbm:s6], $0xF7A  }
0x23: {  	s9 =	sor.u32 $0xD0000000, s2;
	s6 =	simm.s32 $0x108;
	_ =	swait.ge @!p0 [sflag:s8], $0x0  }
0x24: {  	s3 =	sadd.s32 $0x88, s3;
	s6 =	simm.s32 @!p1 $0x1082;
	[sflag:s4] =	ssyncset.s32 $0xFFFFF086  }
0x25: {  	[simem:s6], [sflag:s4] =	dma.local [hbm:s3], $0xF7A  }
0x26: {  	[smem:$0x3F9F] =	sst s1;
	(tag) =	ssettag s2;
	_ =	strace s9  }
0x27: {  	s1 =	sld [smem:$0x3FAF]  }
0x28: {  	s2 =	sld [smem:$0x3FB0]  }
0x29: {  	s4 =	sld [smem:$0x3FB2]  }
0x2a: {  	p0 =	seq.s32 s5, $0x0;
	s5 =	sld [smem:$0x3FB3]  }
0x2b: {  	s6 =	sld [smem:$0x3FB4]  }
0x2c: {  	s7 =	sld [smem:$0x3FB5]  }
0x2d: {  	s3 =	simm.s32 $0x108;
	s8 =	sld [smem:$0x3FB6]  }
0x2e: {  	s3 =	simm.s32 @!p0 $0x1082;
	s9 =	sld [smem:$0x3FB7]  }
0x2f: {  	lr =	sadd.s32 s0, s3;
	s0 =	sld [smem:$0x3FAE]  }
0x30: {  	s3 =	sld [smem:$0x3FB1]  }
0x31: {  	[smem:$0x3FBA] =	sst s10  }
0x32: {  	s10 =	sld [smem:$0x3FB8];
	_ =	sdelay $0x3  }
0x33: {  	p0 =	seq.s32 s10, $0x1;
	s10 =	sld [smem:$0x3FBA];
	_ =	sdelay $0x3  }
0x34: {  	[smem:$0x3FBA] =	sst s10  }
0x35: {  	s10 =	sld [smem:$0x3FB9];
	_ =	sdelay $0x3  }
0x36: {  	p1 =	seq.s32 s10, $0x1;
	s10 =	sld [smem:$0x3FBA];
	_ =	sdelay $0x3  }
0x37: {  	[smem:$0x3FBA] =	sst s10  }
0x38: {  	s10 =	sld [smem:$0x3FBB]  }
0x39: {  	_ = 	snop;
	(pc) =	sbr.ind lr, $3  }
0x3a: {  	_ = 	snop  }
0x3b: {  	_ = 	snop  }
0x3c: {  	p2 =	seq.s32 s10, $0x1;
	s10 =	sld [smem:$0x3FBA]  }
0x3d: {  	_ =	shalt  }
0x3e: {  	_ =	shalt  }
0x3f: {  	_ =	shalt  }
0x40: {  	_ =	shalt  }
0x41: {  	_ =	shalt  }
0x42: {  	_ =	shalt  }
0x43: {  	_ =	shalt  }
0x44: {  	_ =	shalt  }
0x45: {  	_ =	shalt  }
0x46: {  	_ =	shalt  }
0x47: {  	_ =	shalt  }
0x48: {  	_ =	shalt  }
0x49: {  	_ =	shalt  }
0x4a: {  	_ =	shalt  }
0x4b: {  	_ =	shalt  }
0x4c: {  	_ =	shalt  }
0x4d: {  	_ =	shalt  }
0x4e: {  	_ =	shalt  }
0x4f: {  	_ =	shalt  }
0x50: {  	_ =	shalt  }
0x51: {  	_ =	shalt  }
0x52: {  	_ =	shalt  }
0x53: {  	_ =	shalt  }
0x54: {  	_ =	shalt  }
0x55: {  	_ =	shalt  }
0x56: {  	_ =	shalt  }
0x57: {  	_ =	shalt  }
0x58: {  	_ =	shalt  }
0x59: {  	_ =	shalt  }
0x5a: {  	_ =	shalt  }
0x5b: {  	_ =	shalt  }
0x5c: {  	_ =	shalt  }
0x5d: {  	_ =	shalt  }
0x5e: {  	_ =	shalt  }
0x5f: {  	_ =	shalt  }
0x60: {  	_ =	shalt  }
0x61: {  	_ =	shalt  }
0x62: {  	_ =	shalt  }
0x63: {  	_ =	shalt  }
0x64: {  	_ =	shalt  }
0x65: {  	_ =	shalt  }
0x66: {  	_ =	shalt  }
0x67: {  	_ =	shalt  }
0x68: {  	_ =	shalt  }
0x69: {  	_ =	shalt  }
0x6a: {  	_ =	shalt  }
0x6b: {  	_ =	shalt  }
0x6c: {  	_ =	shalt  }
0x6d: {  	_ =	shalt  }
0x6e: {  	_ =	shalt  }
0x6f: {  	_ =	shalt  }
0x70: {  	_ =	shalt  }
0x71: {  	_ =	shalt  }
0x72: {  	_ =	shalt  }
0x73: {  	_ =	shalt  }
0x74: {  	_ =	shalt  }
0x75: {  	_ =	shalt  }
0x76: {  	_ =	shalt  }
0x77: {  	_ =	shalt  }
0x78: {  	_ =	shalt  }
0x79: {  	_ =	shalt  }
0x7a: {  	_ =	shalt  }
0x7b: {  	_ =	shalt  }
0x7c: {  	_ =	shalt  }
0x7d: {  	_ =	shalt  }
0x7e: {  	_ =	shalt  }
0x7f: {  	_ =	shalt  }
0x80: {  	_ =	shalt  }
0x81: {  	_ =	shalt  }
0x82: {  	_ =	shalt  }
0x83: {  	_ =	shalt  }
0x84: {  	_ =	shalt  }
0x85: {  	_ =	shalt  }
0x86: {  	_ =	shalt  }
0x87: {  	_ =	shalt  }
.Lfunc_end0:
.L_simem_size_0:
called_computation_lowered:
.L_overlay_start_0:
0x88: {  	s2 =	sld [smem:$0x3FD9]  }
0x89: {  	s3 =	sld [smem:$0x3FFE];
	_ =	sdelay $0x1  }
0x8a: {  	s1 =	srdreg.scid  }
0x8b: {  	s0 =	sand.u32 $0x1, s1  }
0x8c: {  	s18 =	sshll.u32 s0, $0xA;
	s2 =	sadd.s32 s3, s2  }
0x8d: {  	s2 =	sadd.s32 s2, s18  }
0x8e: {  	[smem:$0x3FC6] =	sst s2  }
0x8f: {  	_ = 	snop  }
0x90: {  	s2 =	sld [smem:$0x3FC9]  }
0x91: {  	s19 =	sld [smem:$0x3FC8]  }
0x92: {  	s4 =	sld [smem:$0x3FD0];
	(tm) =	ssettm $0x1  }
0x93: {  	s5 =	sld [smem:$0x3FFB];
	_ =	sdelay $0x3  }
0x94: {  	_ =	strace s5  }
0x95: {  	s5 =	sld [smem:$0x3FFC];
	_ =	sdelay $0x3  }
0x96: {  	_ =	strace s5  }
0x97: {  	s5 =	sld [smem:$0x3FFD];
	_ =	sdelay $0x3  }
0x98: {  	_ =	strace s5  }
0x99: {  	_ =	strace $0x8FFFFFFF  }
0x9a: {  	s20 =	sld [smem:$0x3FDB];
	_ =	sdelay $0x1  }
0x9b: {  	s6 =	simm.s32 $_scs_section_size  }
0x9c: {  	s7 =	simm.s32 $_size__tile_overlayer_lowered;
	s8 =	simm.s32 $_tile_overlayer_lowered  }
0x9d: {  	s23 =	simm.s32 $0x1BFF;
	s22 =	sshll.u32 s8, $0x1;
	s5 =	sadd.s32 s6, s20  }
0x9e: {  	s9 =	simm.s32 $0x0;
	s21 =	sshll.u32 s7, $0x1;
	s7 =	sadd.s32 s22, s5  }
0x9f: {  	[timem:s9], [sflag:s23] =	dma.local [hbm:s7], s21  }
0xa0: {  	_ =	swait.ge [sflag:s23], s21  }
0xa1: {  	s6 =	ssub.s32 $0x0, s21;
	[sflag:s23] =	ssyncset.done $0x0  }
0xa2: {  	[sflag:s23] =	ssyncadd.s32 s6;
	_ =	sdelay $0x1  }
0xa3: {  	s24 =	simm.s32 $0x1B8B  }
0xa4: {  	_ =	swait.ge [sflag:s24], $0x1  }
0xa5: {  	[sflag:s24] =	ssyncset.done $0x0  }
0xa6: {  	s25 =	simm.s32 $0x1B8E;
	[sflag:s24] =	ssyncadd.s32 $0xFFFFFFFF  }
0xa7: {  	s26 =	simm.s32 $execute0_lowered;
	[smem:$0x3FD2] =	sst s25  }
0xa8: {  	s6 =	sshll.u32 s26, $0x1;
	_ =	strace $0x80000046;
	[dreg:$0x1] =	wrdreg $0xFFFFFFFF  }
0xa9: {  	s28 =	simm.s32 $_size_execute0_lowered;
	s5 =	sadd.s32 s5, s6;
	[dreg:$0x0] =	wrdreg $0x0  }
0xaa: {  	s6 =	sshll.u32 s28, $0x1;
	[dreg:$0x2] =	wrdreg s5  }
0xab: {  	[dreg:$0x3] =	wrdreg s6  }
0xac: {  	[dreg:$0x4] =	wrdreg $0xC0  }
0xad: {  	_ =	task [dreg:s9], $0x5FFFF  }
0xae: {  	[dreg:$0x1] =	wrdreg $0xFFFFFFFF  }
0xaf: {  	[dreg:$0x0] =	wrdreg $0x60  }
0xb0: {  	[dreg:$0x2] =	wrdreg s2  }
0xb1: {  	[dreg:$0x3] =	wrdreg s19  }
0xb2: {  	[dreg:$0x4] =	wrdreg s4  }
0xb3: {  	[dreg:$0x5] =	wrdreg $0x9  }
0xb4: {  	_ =	task.clear_ibuf [dreg:s9], $0x6FFFF;
	_ =	strace $0x90000046  }
0xb5: {  	s29 =	simm.s32 $0x9;
	_ =	strace $0x80000048  }
0xb6: {  	_ =	swait.ge [sflag:s29], $0x1  }
0xb7: {  	[sflag:s29] =	ssyncadd.s32 $0xFFFFFFFF  }
0xb8: {  	_ =	strace $0x90000048  }
0xb9: {  	_ =	sfence  }
0xba: {  	s30 =	sld [smem:$0x0];
	_ =	sdelay $0x2  }
0xbb: {  	s31 =	sshll.u32 s1, $0xD;
	s1 =	sshrl.u32 s1, $0x2  }
0xbc: {  	s3 =	sand.u32 $0x4000, s31;
	s1 =	sadd.s32 s1, s30  }
0xbd: {  	s0 =	sor.u32 s3, s0;
	s1 =	sshll.u32 s1, $0x11  }
0xbe: {  	s0 =	sor.u32 s1, s0  }
0xbf: {  	s0 =	sadd.s32 $0x8F2B, s0  }
0xc0: {  	[sflag:s0] =	ssyncadd.remote.s32 $0x1  }
0xc1: {  	_ =	sfence.sel $0xFFFF  }
0xc2: {  	[dreg:$0x0] =	wrdreg $0xFFFFFFFF;
	(pc) =	sbr.abs _section_cstart, $3  }
0xc3: {  	[dreg:$0x1] =	wrdreg $0xFFFFFFFF  }
0xc4: {  	_ =	task.clear_ibuf [dreg:s9], $0x2FFFF;
	_ =	strace $0x9FFFFFFF  }
0xc5: {  	(tm) =	ssettm $0x7FFFFFFF  }
tec
execute0_lowered:
.L_overlay_start_1:
0x0: {  	(tag) =	ssettag $0x1  }
0x1: {  	s1 =	srdreg.scid;
	s0 =	stileid.u32  }
0x2: {  	s2 =	rddreg [dreg:$0x0];
	s16 =	sand.u32 $0x1, s1;
	s30 =	sshll.u32 s0, $0x1  }
0x3: {  	s14 =	rddreg [dreg:$0x1];
	s9 =	sor.u32 s16, s30  }
0x4: {  	s15 =	rddreg [dreg:$0x2];
	s17 =	smul.u32 $0x140, s9  }
0x5: {  	s3 =	simm.s32 $0x0;
	s1 =	rddreg [dreg:$0x3]  }
0x6: {  	[smem:$0x7FF] =	sst s3;
	s4 =	sshrl.u32 s17, $0x3  }
0x7: {  	_ =	strace $0x80000047;
	s5 =	sadd.s32 s14, s4;
	s4 =	simm.s32 $0x2  }
0x8: {  	[tilespmem:s3], [sflag:$0x2] =	stream.linear.gather [hbm4b:s5+s3], $0x50, $0x38;
	[tilespmem:$0x2880] =	vst v63  }
0x9: {  	_ =	swait.ge [sflag:s4], $0x50  }
0xa: {  	s6 =	simm.s32 $0x50;
	[sflag:s4] =	ssyncset.done $0x0  }
0xb: {  	s7 =	simm.s32 $0x80;
	s8 =	simm.s32 $0x1;
	[sflag:s4] =	ssyncadd.s32 $0xFFFFFFB0  }
0xc: {  	[tilespmem:s7], [sflag:$0x1] =	stream.indirect.gather [hbm4b:s2+s6], $0x80, s3, s6, $0xb8;
	[tilespmem:$0x2880] =	vst v63  }
0xd: {  	s9 =	smul.u32 $0x1400, s9;
	_ =	swait.ge [sflag:s8], $0x2800  }
0xe: {  	[sflag:s8] =	ssyncset.done $0x0  }
0xf: {  	s9 =	sadd.s32 s15, s9;
	[sflag:s8] =	ssyncadd.s32 $0xFFFFD800  }
0x10: {  	[hbm4b:s9+s3] =	stream.linear.scatter [tilespmem:s7], [sflag:$0x2], $0x2800, $0x38;
	[tilespmem:$0x2880] =	vst v63  }
0x11: {  	s11 =	sadd.s32 $0x50, s17;
	_ =	swait.ge [sflag:s4], $0x2800  }
0x12: {  	s10 =	sshrl.u32 s11, $0x3;
	[sflag:s4] =	ssyncset.done $0x0  }
0x13: {  	s10 =	sadd.s32 s14, s10;
	[sflag:s4] =	ssyncadd.s32 $0xFFFFD800  }
0x14: {  	[tilespmem:s3], [sflag:$0x2] =	stream.linear.gather [hbm4b:s10+s3], $0x50, $0x38;
	[tilespmem:$0x2880] =	vst v63  }
0x15: {  	_ =	swait.ge [sflag:s4], $0x50  }
0x16: {  	[sflag:s4] =	ssyncset.done $0x0  }
0x17: {  	[sflag:s4] =	ssyncadd.s32 $0xFFFFFFB0  }
0x18: {  	[tilespmem:s7], [sflag:$0x1] =	stream.indirect.gather [hbm4b:s2+s6], $0x80, s3, s6, $0xb8;
	[tilespmem:$0x2880] =	vst v63  }
0x19: {  	_ =	swait.ge [sflag:s8], $0x2800  }
0x1a: {  	s11 =	sshll.u32 s11, $0x4;
	[sflag:s8] =	ssyncset.done $0x0  }
0x1b: {  	s11 =	sadd.s32 s15, s11;
	[sflag:s8] =	ssyncadd.s32 $0xFFFFD800  }
0x1c: {  	[hbm4b:s11+s3] =	stream.linear.scatter [tilespmem:s7], [sflag:$0x2], $0x2800, $0x38;
	[tilespmem:$0x2880] =	vst v63  }
0x1d: {  	s13 =	sadd.s32 $0xA0, s17;
	_ =	swait.ge [sflag:s4], $0x2800  }
0x1e: {  	s12 =	sshrl.u32 s13, $0x3;
	[sflag:s4] =	ssyncset.done $0x0  }
0x1f: {  	s12 =	sadd.s32 s14, s12;
	[sflag:s4] =	ssyncadd.s32 $0xFFFFD800  }
0x20: {  	[tilespmem:s3], [sflag:$0x2] =	stream.linear.gather [hbm4b:s12+s3], $0x50, $0x38;
	[tilespmem:$0x2880] =	vst v63  }
0x21: {  	_ =	swait.ge [sflag:s4], $0x50  }
0x22: {  	[sflag:s4] =	ssyncset.done $0x0  }
0x23: {  	[sflag:s4] =	ssyncadd.s32 $0xFFFFFFB0  }
0x24: {  	[tilespmem:s7], [sflag:$0x1] =	stream.indirect.gather [hbm4b:s2+s6], $0x80, s3, s6, $0xb8;
	[tilespmem:$0x2880] =	vst v63  }
0x25: {  	_ =	swait.ge [sflag:s8], $0x2800  }
0x26: {  	s13 =	sshll.u32 s13, $0x4;
	[sflag:s8] =	ssyncset.done $0x0  }
0x27: {  	s13 =	sadd.s32 s15, s13;
	[sflag:s8] =	ssyncadd.s32 $0xFFFFD800  }
0x28: {  	[hbm4b:s13+s3] =	stream.linear.scatter [tilespmem:s7], [sflag:$0x2], $0x2800, $0x38;
	[tilespmem:$0x2880] =	vst v63  }
0x29: {  	s17 =	sadd.s32 $0xF0, s17;
	_ =	swait.ge [sflag:s4], $0x2800  }
0x2a: {  	s18 =	sshrl.u32 s17, $0x3;
	[sflag:s4] =	ssyncset.done $0x0  }
0x2b: {  	s16 =	ssub.s32 $0x2, s16;
	s14 =	sadd.s32 s14, s18;
	[sflag:s4] =	ssyncadd.s32 $0xFFFFD800  }
0x2c: {  	[tilespmem:s3], [sflag:$0x2] =	stream.linear.gather [hbm4b:s14+s3], $0x50, $0x38;
	[tilespmem:$0x2880] =	vst v63  }
0x2d: {  	s31 =	sshrl.u32 s16, $0x1;
	_ =	swait.ge [sflag:s4], $0x50  }
0x2e: {  	s16 =	ssub.s32 s16, s31;
	[sflag:s4] =	ssyncset.done $0x0  }
0x2f: {  	s16 =	smax.u32 s16, $0x1;
	[sflag:s4] =	ssyncadd.s32 $0xFFFFFFB0  }
0x30: {  	[tilespmem:s7], [sflag:$0x1] =	stream.indirect.gather [hbm4b:s2+s6], $0x80, s3, s6, $0xb8;
	[tilespmem:$0x2880] =	vst v63  }
0x31: {  	p0 =	sne.s32 s16, $0x1;
	_ =	swait.ge [sflag:s8], $0x2800  }
.Ltmp0:
0x32: {  	s17 =	sshll.u32 s17, $0x4;
	[sflag:s8] =	ssyncset.done $0x0;
	(pc) =	sbr.rel @!p0 .LBB2_2-.Ltmp0, $4  }
0x33: {  	s15 =	sadd.s32 s15, s17;
	[sflag:s8] =	ssyncadd.s32 $0xFFFFD800  }
0x34: {  	[hbm4b:s15+s3] =	stream.linear.scatter [tilespmem:s7], [sflag:$0x2], $0x2800, $0x38;
	[tilespmem:$0x2880] =	vst v63  }
0x35: {  	_ =	swait.ge [sflag:s4], $0x2800  }
0x36: {  	s16 =	sadd.s32 $0xFFFFFFFF, s16;
	[sflag:s4] =	ssyncset.done $0x0  }
.LBB2_1:
0x37: {  	p0 =	sne.s32 s16, $0x1;
	s16 =	sadd.s32 $0xFFFFFFFF, s16;
	[sflag:s4] =	ssyncadd.s32 $0xFFFFD800  }
0x38: {  	[tilespmem:s3], [sflag:$0x2] =	stream.linear.gather [hbm4b:s5+s3], $0x50, $0x38;
	[tilespmem:$0x2880] =	vst v63  }
0x39: {  	_ =	swait.ge [sflag:s4], $0x50  }
0x3a: {  	[sflag:s4] =	ssyncset.done $0x0  }
0x3b: {  	[sflag:s4] =	ssyncadd.s32 $0xFFFFFFB0  }
0x3c: {  	[tilespmem:s7], [sflag:$0x1] =	stream.indirect.gather [hbm4b:s2+s6], $0x80, s3, s6, $0xb8;
	[tilespmem:$0x2880] =	vst v63  }
0x3d: {  	_ =	swait.ge [sflag:s8], $0x2800  }
0x3e: {  	[sflag:s8] =	ssyncset.done $0x0  }
0x3f: {  	[sflag:s8] =	ssyncadd.s32 $0xFFFFD800  }
0x40: {  	[hbm4b:s9+s3] =	stream.linear.scatter [tilespmem:s7], [sflag:$0x2], $0x2800, $0x38;
	[tilespmem:$0x2880] =	vst v63  }
0x41: {  	_ =	swait.ge [sflag:s4], $0x2800  }
0x42: {  	[sflag:s4] =	ssyncset.done $0x0  }
0x43: {  	[sflag:s4] =	ssyncadd.s32 $0xFFFFD800  }
0x44: {  	[tilespmem:s3], [sflag:$0x2] =	stream.linear.gather [hbm4b:s10+s3], $0x50, $0x38;
	[tilespmem:$0x2880] =	vst v63  }
0x45: {  	_ =	swait.ge [sflag:s4], $0x50  }
0x46: {  	[sflag:s4] =	ssyncset.done $0x0  }
0x47: {  	[sflag:s4] =	ssyncadd.s32 $0xFFFFFFB0  }
0x48: {  	[tilespmem:s7], [sflag:$0x1] =	stream.indirect.gather [hbm4b:s2+s6], $0x80, s3, s6, $0xb8;
	[tilespmem:$0x2880] =	vst v63  }
0x49: {  	_ =	swait.ge [sflag:s8], $0x2800  }
0x4a: {  	[sflag:s8] =	ssyncset.done $0x0  }
0x4b: {  	[sflag:s8] =	ssyncadd.s32 $0xFFFFD800  }
0x4c: {  	[hbm4b:s11+s3] =	stream.linear.scatter [tilespmem:s7], [sflag:$0x2], $0x2800, $0x38;
	[tilespmem:$0x2880] =	vst v63  }
0x4d: {  	_ =	swait.ge [sflag:s4], $0x2800  }
0x4e: {  	[sflag:s4] =	ssyncset.done $0x0  }
0x4f: {  	[sflag:s4] =	ssyncadd.s32 $0xFFFFD800  }
0x50: {  	[tilespmem:s3], [sflag:$0x2] =	stream.linear.gather [hbm4b:s12+s3], $0x50, $0x38;
	[tilespmem:$0x2880] =	vst v63  }
0x51: {  	_ =	swait.ge [sflag:s4], $0x50  }
0x52: {  	[sflag:s4] =	ssyncset.done $0x0  }
0x53: {  	[sflag:s4] =	ssyncadd.s32 $0xFFFFFFB0  }
0x54: {  	[tilespmem:s7], [sflag:$0x1] =	stream.indirect.gather [hbm4b:s2+s6], $0x80, s3, s6, $0xb8;
	[tilespmem:$0x2880] =	vst v63  }
0x55: {  	_ =	swait.ge [sflag:s8], $0x2800  }
0x56: {  	[sflag:s8] =	ssyncset.done $0x0  }
0x57: {  	[sflag:s8] =	ssyncadd.s32 $0xFFFFD800  }
0x58: {  	[hbm4b:s13+s3] =	stream.linear.scatter [tilespmem:s7], [sflag:$0x2], $0x2800, $0x38;
	[tilespmem:$0x2880] =	vst v63  }
0x59: {  	_ =	swait.ge [sflag:s4], $0x2800  }
0x5a: {  	[sflag:s4] =	ssyncset.done $0x0  }
0x5b: {  	[sflag:s4] =	ssyncadd.s32 $0xFFFFD800  }
0x5c: {  	[tilespmem:s3], [sflag:$0x2] =	stream.linear.gather [hbm4b:s14+s3], $0x50, $0x38;
	[tilespmem:$0x2880] =	vst v63  }
0x5d: {  	_ =	swait.ge [sflag:s4], $0x50  }
0x5e: {  	[sflag:s4] =	ssyncset.done $0x0  }
0x5f: {  	[sflag:s4] =	ssyncadd.s32 $0xFFFFFFB0  }
0x60: {  	[tilespmem:s7], [sflag:$0x1] =	stream.indirect.gather [hbm4b:s2+s6], $0x80, s3, s6, $0xb8;
	[tilespmem:$0x2880] =	vst v63  }
0x61: {  	_ =	swait.ge [sflag:s8], $0x2800  }
.Ltmp1:
0x62: {  	[sflag:s8] =	ssyncset.done $0x0;
	(pc) =	sbr.rel @p0 .LBB2_1-.Ltmp1, $4  }
0x63: {  	[sflag:s8] =	ssyncadd.s32 $0xFFFFD800  }
0x64: {  	[hbm4b:s15+s3] =	stream.linear.scatter [tilespmem:s7], [sflag:$0x2], $0x2800, $0x38;
	[tilespmem:$0x2880] =	vst v63  }
0x65: {  	_ =	swait.ge [sflag:s4], $0x2800  }
0x66: {  	[sflag:s4] =	ssyncset.done $0x0  }
.LBB2_2:
0x67: {  	[sflag:s4] =	ssyncadd.s32 $0xFFFFD800  }
0x68: {  	_ =	sfence.sel $0x180000  }
0x69: {  	[bflag:$0x0] =	sbarrier.arrive $0xFFFF  }
0x6a: {  	p0 =	sne.s32 s0, $0x0;
	_ =	strace $0x90000047  }
0x6b: {  	s0 =	sadd.s32 @!p0 $0x100000, s1;
	[bflag:$0x2] =	sbarrier.arrive $0xFFFF  }
0x6c: {  	[sflag:s0] =	ssyncadd.tile.s32 @!p0 $0x1;
	_ =	shalt  }
.Lfunc_end2:
_tile_overlayer_lowered:
.L_overlay_start_2:
0x6d: {  	(tag) =	ssettag $0x2  }
0x6e: {  	s0 =	rddreg [dreg:$0x0];
	s2 =	stileid.u32  }
0x6f: {  	s1 =	rddreg [dreg:$0x1];
	p0 =	sne.s32 s2, $0x0  }
0x70: {  	s3 =	rddreg [dreg:$0x2];
	[bflag:$0x3] =	sbarrier.arrive $0xFFFF;
	s2 =	simm.s32 @!p0 $0x1C02  }
0x71: {  	[timem:s3], [sflag:s2] =	dma.local @!p0 [hbm:s0], s1  }
0x72: {  	s0 =	simm.s32 @!p0 $0x2  }
0x73: {  	_ =	swait.ge @!p0 [sflag:s0], s1  }
0x74: {  	s1 =	ssub.s32 @!p0 $0x0, s1;
	[sflag:s0] =	ssyncset.done @!p0 $0x0  }
0x75: {  	[sflag:s0] =	ssyncadd.s32 @!p0 s1  }
0x76: {  	[bflag:$0x3] =	sbarrier.arrive $0xFFFF  }
0x77: {  	_ =	shalt  }

</sc_bundles>
